<compile_context>
chip_gen: v7x
topology: tpu7x:2x2x1
jax: 0.10.2.dev20260603
libtpu: 0.0.44.dev20260713+nightly
codegen_flags: <defaults>
</compile_context>

<pallas_src>
import functools

import jax
import jax.numpy as jnp
from jax import lax
from jax.experimental import pallas as pl
from jax.experimental.pallas import tpu as pltpu
from jax.experimental.pallas import tpu_sc as plsc

N, D, K, C = 4096, 64, 512, 256
PD = 128
BLK = 4096
NB = N // BLK
CH = 128

_SC = plsc.get_sparse_core_info()
NW = _SC.num_cores * _SC.num_subcores
BPW = N // NW


def _assign_body(x_ref, p_ref, idx_ref, pp_ref, p2_ref, pn_ref):
    @pl.when(pl.program_id(0) == 0)
    def _():
        p = p_ref[...]
        p2_ref[...] = -2.0 * p
        pn_ref[...] = lax.dot_general(p * p, jnp.ones((8, D), jnp.float32),
                                      (((1,), (1,)), ((), ())),
                                      preferred_element_type=jnp.float32,
                                      precision=lax.Precision.HIGHEST)[:, :1]
        pp_ref[...] = jnp.concatenate([p, p], axis=1)

    xt = x_ref[...]
    s = lax.dot_general(p2_ref[...], xt, (((1,), (0,)), ((), ())),
                        preferred_element_type=jnp.float32,
                        precision=lax.Precision.HIGHEST)
    s = s + pn_ref[...]
    m = jnp.min(s, axis=0, keepdims=True)
    kf = lax.broadcasted_iota(jnp.int32, (K, BLK), 0).astype(jnp.float32)
    idxf = jnp.min(jnp.where(s == m, kf, float(K)), axis=0, keepdims=True)
    idx_ref[...] = idxf.astype(jnp.int32)


def _assign(x, proxies):
    return pl.pallas_call(
        _assign_body,
        grid=(NB,),
        in_specs=[pl.BlockSpec((D, BLK), lambda i: (0, i)),
                  pl.BlockSpec((K, D), lambda i: (0, 0))],
        out_specs=[pl.BlockSpec((1, BLK), lambda i: (0, i)),
                   pl.BlockSpec((K, PD), lambda i: (0, 0))],
        out_shape=[jax.ShapeDtypeStruct((1, N), jnp.int32),
                   jax.ShapeDtypeStruct((K, PD), jnp.float32)],
        scratch_shapes=[pltpu.VMEM((K, D), jnp.float32),
                        pltpu.VMEM((K, 1), jnp.float32)],
    )(x, proxies)


def _make_sc_gather():
    mesh = plsc.VectorSubcoreMesh(core_axis_name="c", subcore_axis_name="s")

    nch = BPW // CH

    @functools.partial(
        pl.kernel,
        mesh=mesh,
        out_type=[jax.ShapeDtypeStruct((N, C), jnp.float32),
                  jax.ShapeDtypeStruct((N, PD), jnp.float32)],
        scratch_types=[pltpu.VMEM((BPW,), jnp.int32),
                       pltpu.VMEM((BPW, C), jnp.float32),
                       pltpu.VMEM((BPW, PD), jnp.float32)]
                      + [pltpu.SemaphoreType.DMA] * (2 * nch + 2),
    )
    def gather_k(lab_hbm, pp_hbm, idx_hbm, outl_hbm, outp_hbm,
                 idx_v, lab_v, pp_v, *sems):
        wid = lax.axis_index("s") * _SC.num_cores + lax.axis_index("c")
        base = wid * BPW
        sem_wl, sem_wp = sems[2 * nch], sems[2 * nch + 1]
        pltpu.sync_copy(idx_hbm.at[0, pl.ds(base, BPW)], idx_v)
        gl, gp = [], []
        for c in range(nch):
            rows = pl.ds(c * CH, CH)
            ii = idx_v.at[rows]
            gl.append(pltpu.async_copy(lab_hbm.at[ii], lab_v.at[rows],
                                       sems[2 * c]))
            gp.append(pltpu.async_copy(pp_hbm.at[ii], pp_v.at[rows],
                                       sems[2 * c + 1]))
        wb = []
        for c in range(nch):
            rows = pl.ds(c * CH, CH)
            orows = pl.ds(base + c * CH, CH)
            gl[c].wait()
            wb.append(pltpu.async_copy(lab_v.at[rows], outl_hbm.at[orows],
                                       sem_wl))
            gp[c].wait()
            wb.append(pltpu.async_copy(pp_v.at[rows], outp_hbm.at[orows],
                                       sem_wp))
        for w in wb:
            w.wait()

    return gather_k


_sc_gather = _make_sc_gather()


def kernel(x, proxies, labels):
    idx, pp = _assign(jnp.transpose(x), proxies)
    lx, pxp = _sc_gather(labels, pp, idx)
    return x, pxp[:, :D], lx

# --- scband reference (transcript-rebuilt; emitter-appended) ---
"""Pipeline reference for scband-kmeans-proxy-32418413150285 (READ-ONLY COPY).

The authoritative reference and input builder live on the scoring server;
editing this copy changes nothing except your own understanding.
"""

import jax, jax.numpy as jnp
import numpy as np


def setup_inputs(seed: int = 0) -> dict:
    key = jax.random.key(seed)
    k1, k2, k3 = jax.random.split(key, 3)
    x = jax.random.normal(k1, (4096, 64), dtype=jnp.float32)
    # learned parameter: proxies (codebook), sized clusters x embedding_dimensions
    # clusters = proxy_factor(2) * num_classes(256) = 512
    proxies = jax.random.normal(k2, (512, 64), dtype=jnp.float32)
    # labels buffer: clusters x num_classes
    labels = jax.random.normal(k3, (512, 256), dtype=jnp.float32)
    return {"x": x, "proxies": proxies, "labels": labels}


def reference(x, proxies, labels):
    # eval-mode forward of KMeansProxy:
    #   idx = argmin over clusters of mean squared distance
    #   return (x, proxies[idx], labels[idx])
    d = ((x[:, None, :] - proxies[None, :, :]) ** 2).mean(axis=2)  # [N, K]
    idx = jnp.argmin(d, axis=1)  # [N]
    return (x, jnp.take(proxies, idx, axis=0), jnp.take(labels, idx, axis=0))

if __name__ == "__main__":
    import jax
    _d = setup_inputs()
    print(jax.jit(kernel)(*tuple(_d.values())))

</pallas_src>

<mosaic_0001>
#map = affine_map<(d0, d1) -> (0, 0)>
module attributes {stable_mosaic.version = 14 : i64} {
  func.func @gather_k(%arg0: i32, %arg1: i32, %arg2: memref<512x256xf32, #tpu.memory_space<hbm>>, %arg3: memref<512x128xf32, #tpu.memory_space<hbm>>, %arg4: memref<1x4096xi32, #tpu.memory_space<hbm>>, %arg5: memref<4096x256xf32, #tpu.memory_space<hbm>>, %arg6: memref<4096x128xf32, #tpu.memory_space<hbm>>, %arg7: memref<128xi32, #tpu.memory_space<vmem>>, %arg8: memref<128x256xf32, #tpu.memory_space<vmem>>, %arg9: memref<128x128xf32, #tpu.memory_space<vmem>>, %arg10: memref<!tpu.dma_semaphore, #tpu.memory_space<semaphore_mem>>, %arg11: memref<!tpu.dma_semaphore, #tpu.memory_space<semaphore_mem>>, %arg12: memref<!tpu.dma_semaphore, #tpu.memory_space<semaphore_mem>>, %arg13: memref<!tpu.dma_semaphore, #tpu.memory_space<semaphore_mem>>) attributes {dimension_semantics = [#tpu.dimension_semantics<core_parallel>, #tpu.dimension_semantics<subcore_parallel>], iteration_bounds = array<i64: 2, 16>, scalar_prefetch = 0 : i64, scratch_operands = 7 : i64, tpu.core_type = #tpu.core_type<sc_vector_subcore>, window_params = [{transform_indices = #map}, {transform_indices = #map}, {transform_indices = #map}, {transform_indices = #map}, {transform_indices = #map}]} {
    %mul3A = arith.constant 2 : i32
    %mul3A_0 = arith.muli %arg1, %mul3A : i32
    %add3A = arith.addi %mul3A_0, %arg0 : i32
    %mul3A_1 = arith.constant 128 : i32
    %mul3A_2 = arith.muli %add3A, %mul3A_1 : i32
    %run_scoped3A = arith.constant 0 : i32
    "tpu.region"() ({
      %run_scoped3A_75 = tpu.sem_alloc : memref<!tpu.dma_semaphore, #tpu.memory_space<semaphore_mem>>
      %dma_start3A_76 = tpu.memref_slice %arg4[%run_scoped3A, %mul3A_2] : memref<1x4096xi32, #tpu.memory_space<hbm>> -> memref<1x128xi32, #tpu.memory_space<hbm>>
      %dma_start3A_77 = tpu.memref_squeeze %dma_start3A_76 : memref<1x128xi32, #tpu.memory_space<hbm>> -> memref<128xi32, #tpu.memory_space<hbm>>
      %dma_start3A_78 = tpu.memref_slice %arg4[%run_scoped3A, %mul3A_2] : memref<1x4096xi32, #tpu.memory_space<hbm>> -> memref<1x128xi32, #tpu.memory_space<hbm>>
      %dma_start3A_79 = tpu.memref_squeeze %dma_start3A_78 : memref<1x128xi32, #tpu.memory_space<hbm>> -> memref<128xi32, #tpu.memory_space<hbm>>
      tpu.enqueue_dma source(%dma_start3A_79 : memref<128xi32, #tpu.memory_space<hbm>>) target(%arg7 : memref<128xi32, #tpu.memory_space<vmem>>) target_semaphore(%run_scoped3A_75 : memref<!tpu.dma_semaphore, #tpu.memory_space<semaphore_mem>>)
      %dma_wait3A_80 = tpu.memref_slice %arg4[%run_scoped3A, %mul3A_2] : memref<1x4096xi32, #tpu.memory_space<hbm>> -> memref<1x128xi32, #tpu.memory_space<hbm>>
      %dma_wait3A_81 = tpu.memref_squeeze %dma_wait3A_80 : memref<1x128xi32, #tpu.memory_space<hbm>> -> memref<128xi32, #tpu.memory_space<hbm>>
      %dma_wait3A_82 = tpu.memref_slice %arg4[%run_scoped3A, %mul3A_2] : memref<1x4096xi32, #tpu.memory_space<hbm>> -> memref<1x128xi32, #tpu.memory_space<hbm>>
      %dma_wait3A_83 = tpu.memref_squeeze %dma_wait3A_82 : memref<1x128xi32, #tpu.memory_space<hbm>> -> memref<128xi32, #tpu.memory_space<hbm>>
      tpu.wait_dma2 semaphore(%run_scoped3A_75 : memref<!tpu.dma_semaphore, #tpu.memory_space<semaphore_mem>>) src(%dma_wait3A_83 : memref<128xi32, #tpu.memory_space<hbm>>) dst(%arg7 : memref<128xi32, #tpu.memory_space<vmem>>)
      tpu.yield
    }) : () -> ()
    %dma_start3A = arith.constant 0 : i32
    %dma_start3A_3 = arith.constant 0 : i32
    %dma_start3A_4 = tpu.memref_slice %arg8[%dma_start3A, %dma_start3A_3] : memref<128x256xf32, #tpu.memory_space<vmem>> -> memref<128x256xf32, #tpu.memory_space<vmem>>
    %dma_start3A_5 = arith.constant 0 : i32
    %dma_start3A_6 = tpu.memref_slice %arg7[%dma_start3A_5] : memref<128xi32, #tpu.memory_space<vmem>> -> memref<128xi32, #tpu.memory_space<vmem>>
    %dma_start3A_7 = arith.constant 0 : i32
    %dma_start3A_8 = arith.constant 0 : i32
    %dma_start3A_9 = tpu.memref_slice %arg2[%dma_start3A_7, %dma_start3A_8] : memref<512x256xf32, #tpu.memory_space<hbm>> -> memref<512x256xf32, #tpu.memory_space<hbm>>
    tpu.enqueue_indirect_dma source(%dma_start3A_9 : memref<512x256xf32, #tpu.memory_space<hbm>>) target(%dma_start3A_4 : memref<128x256xf32, #tpu.memory_space<vmem>>) offsets(%dma_start3A_6 : memref<128xi32, #tpu.memory_space<vmem>>) semaphore(%arg10 : memref<!tpu.dma_semaphore, #tpu.memory_space<semaphore_mem>>)
    %dma_start3A_10 = arith.constant 0 : i32
    %dma_start3A_11 = arith.constant 0 : i32
    %dma_start3A_12 = tpu.memref_slice %arg9[%dma_start3A_10, %dma_start3A_11] : memref<128x128xf32, #tpu.memory_space<vmem>> -> memref<128x128xf32, #tpu.memory_space<vmem>>
    %dma_start3A_13 = arith.constant 0 : i32
    %dma_start3A_14 = tpu.memref_slice %arg7[%dma_start3A_13] : memref<128xi32, #tpu.memory_space<vmem>> -> memref<128xi32, #tpu.memory_space<vmem>>
    %dma_start3A_15 = arith.constant 0 : i32
    %dma_start3A_16 = arith.constant 0 : i32
    %dma_start3A_17 = tpu.memref_slice %arg3[%dma_start3A_15, %dma_start3A_16] : memref<512x128xf32, #tpu.memory_space<hbm>> -> memref<512x128xf32, #tpu.memory_space<hbm>>
    tpu.enqueue_indirect_dma source(%dma_start3A_17 : memref<512x128xf32, #tpu.memory_space<hbm>>) target(%dma_start3A_12 : memref<128x128xf32, #tpu.memory_space<vmem>>) offsets(%dma_start3A_14 : memref<128xi32, #tpu.memory_space<vmem>>) semaphore(%arg11 : memref<!tpu.dma_semaphore, #tpu.memory_space<semaphore_mem>>)
    %add3A_18 = arith.constant 0 : i32
    %add3A_19 = arith.addi %mul3A_2, %add3A_18 : i32
    %dma_wait3A = arith.constant 0 : i32
    %dma_wait3A_20 = arith.constant 0 : i32
    %dma_wait3A_21 = tpu.memref_slice %arg8[%dma_wait3A, %dma_wait3A_20] : memref<128x256xf32, #tpu.memory_space<vmem>> -> memref<128x256xf32, #tpu.memory_space<vmem>>
    %dma_wait3A_22 = arith.constant 0 : i32
    %dma_wait3A_23 = tpu.memref_slice %arg7[%dma_wait3A_22] : memref<128xi32, #tpu.memory_space<vmem>> -> memref<128xi32, #tpu.memory_space<vmem>>
    %dma_wait3A_24 = arith.constant 0 : i32
    %dma_wait3A_25 = arith.constant 0 : i32
    %dma_wait3A_26 = tpu.memref_slice %arg2[%dma_wait3A_24, %dma_wait3A_25] : memref<512x256xf32, #tpu.memory_space<hbm>> -> memref<512x256xf32, #tpu.memory_space<hbm>>
    tpu.wait_indirect_dma semaphore(%arg10 : memref<!tpu.dma_semaphore, #tpu.memory_space<semaphore_mem>>) src(%dma_wait3A_26 : memref<512x256xf32, #tpu.memory_space<hbm>>) dst(%dma_wait3A_21 : memref<128x256xf32, #tpu.memory_space<vmem>>)
    %dma_start3A_27 = arith.constant 0 : i32
    %dma_start3A_28 = arith.constant 0 : i32
    %dma_start3A_29 = tpu.memref_slice %arg8[%dma_start3A_27, %dma_start3A_28] : memref<128x256xf32, #tpu.memory_space<vmem>> -> memref<128x256xf32, #tpu.memory_space<vmem>>
    %dma_start3A_30 = arith.constant 0 : i32
    %dma_start3A_31 = tpu.memref_slice %arg5[%add3A_19, %dma_start3A_30] : memref<4096x256xf32, #tpu.memory_space<hbm>> -> memref<128x256xf32, #tpu.memory_space<hbm>>
    %dma_start3A_32 = arith.constant 0 : i32
    %dma_start3A_33 = tpu.memref_slice %arg5[%add3A_19, %dma_start3A_32] : memref<4096x256xf32, #tpu.memory_space<hbm>> -> memref<128x256xf32, #tpu.memory_space<hbm>>
    %dma_start3A_34 = arith.constant 0 : i32
    %dma_start3A_35 = arith.constant 0 : i32
    %dma_start3A_36 = tpu.memref_slice %arg8[%dma_start3A_34, %dma_start3A_35] : memref<128x256xf32, #tpu.memory_space<vmem>> -> memref<128x256xf32, #tpu.memory_space<vmem>>
    tpu.enqueue_dma source(%dma_start3A_36 : memref<128x256xf32, #tpu.memory_space<vmem>>) target(%dma_start3A_33 : memref<128x256xf32, #tpu.memory_space<hbm>>) target_semaphore(%arg12 : memref<!tpu.dma_semaphore, #tpu.memory_space<semaphore_mem>>)
    %dma_wait3A_37 = arith.constant 0 : i32
    %dma_wait3A_38 = arith.constant 0 : i32
    %dma_wait3A_39 = tpu.memref_slice %arg9[%dma_wait3A_37, %dma_wait3A_38] : memref<128x128xf32, #tpu.memory_space<vmem>> -> memref<128x128xf32, #tpu.memory_space<vmem>>
    %dma_wait3A_40 = arith.constant 0 : i32
    %dma_wait3A_41 = tpu.memref_slice %arg7[%dma_wait3A_40] : memref<128xi32, #tpu.memory_space<vmem>> -> memref<128xi32, #tpu.memory_space<vmem>>
    %dma_wait3A_42 = arith.constant 0 : i32
    %dma_wait3A_43 = arith.constant 0 : i32
    %dma_wait3A_44 = tpu.memref_slice %arg3[%dma_wait3A_42, %dma_wait3A_43] : memref<512x128xf32, #tpu.memory_space<hbm>> -> memref<512x128xf32, #tpu.memory_space<hbm>>
    tpu.wait_indirect_dma semaphore(%arg11 : memref<!tpu.dma_semaphore, #tpu.memory_space<semaphore_mem>>) src(%dma_wait3A_44 : memref<512x128xf32, #tpu.memory_space<hbm>>) dst(%dma_wait3A_39 : memref<128x128xf32, #tpu.memory_space<vmem>>)
    %dma_start3A_45 = arith.constant 0 : i32
    %dma_start3A_46 = arith.constant 0 : i32
    %dma_start3A_47 = tpu.memref_slice %arg9[%dma_start3A_45, %dma_start3A_46] : memref<128x128xf32, #tpu.memory_space<vmem>> -> memref<128x128xf32, #tpu.memory_space<vmem>>
    %dma_start3A_48 = arith.constant 0 : i32
    %dma_start3A_49 = tpu.memref_slice %arg6[%add3A_19, %dma_start3A_48] : memref<4096x128xf32, #tpu.memory_space<hbm>> -> memref<128x128xf32, #tpu.memory_space<hbm>>
    %dma_start3A_50 = arith.constant 0 : i32
    %dma_start3A_51 = tpu.memref_slice %arg6[%add3A_19, %dma_start3A_50] : memref<4096x128xf32, #tpu.memory_space<hbm>> -> memref<128x128xf32, #tpu.memory_space<hbm>>
    %dma_start3A_52 = arith.constant 0 : i32
    %dma_start3A_53 = arith.constant 0 : i32
    %dma_start3A_54 = tpu.memref_slice %arg9[%dma_start3A_52, %dma_start3A_53] : memref<128x128xf32, #tpu.memory_space<vmem>> -> memref<128x128xf32, #tpu.memory_space<vmem>>
    tpu.enqueue_dma source(%dma_start3A_54 : memref<128x128xf32, #tpu.memory_space<vmem>>) target(%dma_start3A_51 : memref<128x128xf32, #tpu.memory_space<hbm>>) target_semaphore(%arg13 : memref<!tpu.dma_semaphore, #tpu.memory_space<semaphore_mem>>)
    %dma_wait3A_55 = arith.constant 0 : i32
    %dma_wait3A_56 = arith.constant 0 : i32
    %dma_wait3A_57 = tpu.memref_slice %arg8[%dma_wait3A_55, %dma_wait3A_56] : memref<128x256xf32, #tpu.memory_space<vmem>> -> memref<128x256xf32, #tpu.memory_space<vmem>>
    %dma_wait3A_58 = arith.constant 0 : i32
    %dma_wait3A_59 = tpu.memref_slice %arg5[%add3A_19, %dma_wait3A_58] : memref<4096x256xf32, #tpu.memory_space<hbm>> -> memref<128x256xf32, #tpu.memory_space<hbm>>
    %dma_wait3A_60 = arith.constant 0 : i32
    %dma_wait3A_61 = tpu.memref_slice %arg5[%add3A_19, %dma_wait3A_60] : memref<4096x256xf32, #tpu.memory_space<hbm>> -> memref<128x256xf32, #tpu.memory_space<hbm>>
    %dma_wait3A_62 = arith.constant 0 : i32
    %dma_wait3A_63 = arith.constant 0 : i32
    %dma_wait3A_64 = tpu.memref_slice %arg8[%dma_wait3A_62, %dma_wait3A_63] : memref<128x256xf32, #tpu.memory_space<vmem>> -> memref<128x256xf32, #tpu.memory_space<vmem>>
    tpu.wait_dma2 semaphore(%arg12 : memref<!tpu.dma_semaphore, #tpu.memory_space<semaphore_mem>>) src(%dma_wait3A_64 : memref<128x256xf32, #tpu.memory_space<vmem>>) dst(%dma_wait3A_61 : memref<128x256xf32, #tpu.memory_space<hbm>>)
    %dma_wait3A_65 = arith.constant 0 : i32
    %dma_wait3A_66 = arith.constant 0 : i32
    %dma_wait3A_67 = tpu.memref_slice %arg9[%dma_wait3A_65, %dma_wait3A_66] : memref<128x128xf32, #tpu.memory_space<vmem>> -> memref<128x128xf32, #tpu.memory_space<vmem>>
    %dma_wait3A_68 = arith.constant 0 : i32
    %dma_wait3A_69 = tpu.memref_slice %arg6[%add3A_19, %dma_wait3A_68] : memref<4096x128xf32, #tpu.memory_space<hbm>> -> memref<128x128xf32, #tpu.memory_space<hbm>>
    %dma_wait3A_70 = arith.constant 0 : i32
    %dma_wait3A_71 = tpu.memref_slice %arg6[%add3A_19, %dma_wait3A_70] : memref<4096x128xf32, #tpu.memory_space<hbm>> -> memref<128x128xf32, #tpu.memory_space<hbm>>
    %dma_wait3A_72 = arith.constant 0 : i32
    %dma_wait3A_73 = arith.constant 0 : i32
    %dma_wait3A_74 = tpu.memref_slice %arg9[%dma_wait3A_72, %dma_wait3A_73] : memref<128x128xf32, #tpu.memory_space<vmem>> -> memref<128x128xf32, #tpu.memory_space<vmem>>
    tpu.wait_dma2 semaphore(%arg13 : memref<!tpu.dma_semaphore, #tpu.memory_space<semaphore_mem>>) src(%dma_wait3A_74 : memref<128x128xf32, #tpu.memory_space<vmem>>) dst(%dma_wait3A_71 : memref<128x128xf32, #tpu.memory_space<hbm>>)
    return
  }
}

module attributes {stable_mosaic.version = 14 : i64} {
  func.func @_assign_body(%arg0: i32, %arg1: memref<64x4096xf32, #tpu.memory_space<vmem>>, %arg2: memref<512x64xf32, #tpu.memory_space<vmem>>, %arg3: memref<1x4096xi32, #tpu.memory_space<vmem>>, %arg4: memref<512x128xf32, #tpu.memory_space<vmem>>, %arg5: memref<512x64xf32, #tpu.memory_space<vmem>>, %arg6: memref<512x1xf32, #tpu.memory_space<vmem>>) attributes {dimension_semantics = [#tpu.dimension_semantics<arbitrary>], iteration_bounds = array<i64: 1>, scalar_prefetch = 0 : i64, scratch_operands = 2 : i64, tpu.core_type = #tpu.core_type<tc>, window_params = [{transform_indices = @transform_0, window_bounds = array<i64: 64, 4096>}, {pipeline_mode = #tpu.pipeline_mode<synchronous>, transform_indices = @transform_1, window_bounds = array<i64: 512, 64>}, {transform_indices = @transform_2, window_bounds = array<i64: 1, 4096>}, {pipeline_mode = #tpu.pipeline_mode<synchronous>, transform_indices = @transform_3, window_bounds = array<i64: 512, 128>}]} {
    %eq3A = arith.constant 0 : i32
    %eq3A_0 = arith.cmpi eq, %arg0, %eq3A : i32
    %convert_element_type3A = arith.extui %eq3A_0 : i1 to i32
    %cond3A = arith.constant 0 : i32
    %cond3A_1 = arith.cmpi ne, %convert_element_type3A, %cond3A : i32
    scf.if %cond3A_1 {
      %get3A_23 = arith.constant 0 : index
      %get3A_24 = arith.constant 0 : index
      %get3A_25 = vector.load %arg2[%get3A_23, %get3A_24] : memref<512x64xf32, #tpu.memory_space<vmem>>, vector<512x64xf32>
      %mul3A = arith.constant -2.000000e+00 : f32
      %mul3A_26 = vector.broadcast %mul3A : f32 to vector<512x64xf32>
      %mul3A_27 = arith.mulf %mul3A_26, %get3A_25 : vector<512x64xf32>
      %swap3A_28 = arith.constant 0 : index
      %swap3A_29 = arith.constant 0 : index
      %swap3A_30 = vector.load %arg5[%swap3A_28, %swap3A_29] : memref<512x64xf32, #tpu.memory_space<vmem>>, vector<512x64xf32>
      tpu.vector_store %arg5[%swap3A_28, %swap3A_29], %mul3A_27 {strides = array<i32>} : memref<512x64xf32, #tpu.memory_space<vmem>>, vector<512x64xf32>,
      %mul3A_31 = arith.mulf %get3A_25, %get3A_25 : vector<512x64xf32>
      %broadcast_in_dim3A_32 = arith.constant 1.000000e+00 : f32
      %broadcast_in_dim3A_33 = vector.broadcast %broadcast_in_dim3A_32 : f32 to vector<8x64xf32>
      %dot_general3A_34 = arith.constant dense<0.000000e+00> : vector<512x8xf32>
      %dot_general3A_35 = tpu.matmul %mul3A_31, %broadcast_in_dim3A_33, %dot_general3A_34 {dimension_numbers = #tpu.dot_dimension_numbers<[1], [1], [0], [0], [0, 0, 1, 0], [], []>, precision = #tpu.contract_precision<fp32>, transpose_lhs_hint = false} : vector<512x64xf32>, vector<8x64xf32>, vector<512x8xf32> -> vector<512x8xf32>
      %slice3A = vector.extract_strided_slice %dot_general3A_35 {offsets = [0, 0], sizes = [512, 1], strides = [1, 1]} : vector<512x8xf32> to vector<512x1xf32>
      %swap3A_36 = arith.constant 0 : index
      %swap3A_37 = arith.constant 0 : index
      %swap3A_38 = vector.load %arg6[%swap3A_36, %swap3A_37] : memref<512x1xf32, #tpu.memory_space<vmem>>, vector<512x1xf32>
      tpu.vector_store %arg6[%swap3A_36, %swap3A_37], %slice3A {strides = array<i32>} : memref<512x1xf32, #tpu.memory_space<vmem>>, vector<512x1xf32>,
      %concatenate3A = tpu.concatenate %get3A_25, %get3A_25 in 1 : vector<512x64xf32>, vector<512x64xf32> -> vector<512x128xf32>
      %swap3A_39 = arith.constant 0 : index
      %swap3A_40 = arith.constant 0 : index
      %swap3A_41 = vector.load %arg4[%swap3A_39, %swap3A_40] : memref<512x128xf32, #tpu.memory_space<vmem>>, vector<512x128xf32>
      tpu.vector_store %arg4[%swap3A_39, %swap3A_40], %concatenate3A {strides = array<i32>} : memref<512x128xf32, #tpu.memory_space<vmem>>, vector<512x128xf32>,
    } else {
    }
    %get3A = arith.constant 0 : index
    %get3A_2 = arith.constant 0 : index
    %get3A_3 = vector.load %arg1[%get3A, %get3A_2] : memref<64x4096xf32, #tpu.memory_space<vmem>>, vector<64x4096xf32>
    %get3A_4 = arith.constant 0 : index
    %get3A_5 = arith.constant 0 : index
    %get3A_6 = vector.load %arg5[%get3A_4, %get3A_5] : memref<512x64xf32, #tpu.memory_space<vmem>>, vector<512x64xf32>
    %dot_general3A = arith.constant dense<0.000000e+00> : vector<512x4096xf32>
    %dot_general3A_7 = tpu.matmul %get3A_6, %get3A_3, %dot_general3A {dimension_numbers = #tpu.dot_dimension_numbers<[1], [0], [0], [1], [0, 0, 1, 1], [], []>, precision = #tpu.contract_precision<fp32>, transpose_lhs_hint = false} : vector<512x64xf32>, vector<64x4096xf32>, vector<512x4096xf32> -> vector<512x4096xf32>
    %get3A_8 = arith.constant 0 : index
    %get3A_9 = arith.constant 0 : index
    %get3A_10 = vector.load %arg6[%get3A_8, %get3A_9] : memref<512x1xf32, #tpu.memory_space<vmem>>, vector<512x1xf32>
    %add3A = vector.broadcast %get3A_10 : vector<512x1xf32> to vector<512x4096xf32>
    %add3A_11 = arith.addf %dot_general3A_7, %add3A : vector<512x4096xf32>
    %reduce_min3A = arith.constant dense<0x7F800000> : vector<4096xf32>
    %reduce_min3A_12 = vector.multi_reduction <minimumf>, %add3A_11, %reduce_min3A [0] : vector<512x4096xf32> to vector<4096xf32>
    %broadcast_in_dim3A = vector.shape_cast %reduce_min3A_12 : vector<4096xf32> to vector<1x4096xf32>
    %iota3A = tpu.iota {dimensions = array<i32: 0>} : vector<512x4096xi32>
    %convert_element_type3A_13 = arith.sitofp %iota3A : vector<512x4096xi32> to vector<512x4096xf32>
    %eq3A_14 = vector.broadcast %broadcast_in_dim3A : vector<1x4096xf32> to vector<512x4096xf32>
    %eq3A_15 = arith.cmpf oeq, %add3A_11, %eq3A_14 : vector<512x4096xf32>
    %jit3A = arith.constant 5.120000e+02 : f32
    %broadcast_in_dim3A_16 = vector.broadcast %jit3A : f32 to vector<512x4096xf32>
    %select_n3A = arith.select %eq3A_15, %convert_element_type3A_13, %broadcast_in_dim3A_16 : vector<512x4096xi1>, vector<512x4096xf32>
    %reduce_min3A_17 = arith.constant dense<0x7F800000> : vector<4096xf32>
    %reduce_min3A_18 = vector.multi_reduction <minimumf>, %select_n3A, %reduce_min3A_17 [0] : vector<512x4096xf32> to vector<4096xf32>
    %broadcast_in_dim3A_19 = vector.shape_cast %reduce_min3A_18 : vector<4096xf32> to vector<1x4096xf32>
    %convert_element_type3A_20 = arith.fptosi %broadcast_in_dim3A_19 : vector<1x4096xf32> to vector<1x4096xi32>
    %swap3A = arith.constant 0 : index
    %swap3A_21 = arith.constant 0 : index
    %swap3A_22 = vector.load %arg3[%swap3A, %swap3A_21] : memref<1x4096xi32, #tpu.memory_space<vmem>>, vector<1x4096xi32>
    tpu.vector_store %arg3[%swap3A, %swap3A_21], %convert_element_type3A_20 {strides = array<i32>} : memref<1x4096xi32, #tpu.memory_space<vmem>>, vector<1x4096xi32>,
    return
  }
  func.func @transform_0(%arg0: i32) -> (i32, i32) {
    %c0_i32 = arith.constant 0 : i32
    %c0_i32_0 = arith.constant 0 : i32
    return %c0_i32, %arg0 : i32, i32
  }
  func.func @transform_1(%arg0: i32) -> (i32, i32) {
    %c0_i32 = arith.constant 0 : i32
    %c0_i32_0 = arith.constant 0 : i32
    %c0_i32_1 = arith.constant 0 : i32
    return %c0_i32, %c0_i32_0 : i32, i32
  }
  func.func @transform_2(%arg0: i32) -> (i32, i32) {
    %c0_i32 = arith.constant 0 : i32
    %c0_i32_0 = arith.constant 0 : i32
    return %c0_i32, %arg0 : i32, i32
  }
  func.func @transform_3(%arg0: i32) -> (i32, i32) {
    %c0_i32 = arith.constant 0 : i32
    %c0_i32_0 = arith.constant 0 : i32
    %c0_i32_1 = arith.constant 0 : i32
    return %c0_i32, %c0_i32_0 : i32, i32
  }
}

</mosaic_0001>

<sc_bundles>
// kernel: kernel.4.cloned.1.call-start
scs
__scs_entry_jumppad:
0x0: {  	(pc) =	sbr.rel $0x88, $3  }
0x1: {  	(tag) =	ssettag $0x0;
	lr =	simm.s32 $0x1  }
0x2: {  	[smem:$0x3F9E] =	sst lr;
	_ =	strace $0xD0000000  }
0x3: {  	_ = 	snop  }
0x4: {  	_ = 	snop  }
0x5: {  	_ = 	snop  }
0x6: {  	_ = 	snop  }
0x7: {  	_ = 	snop  }
__scs_overlays_trampoline_lowered:
0x8: {  	[smem:$0x3FAD] =	sst s0  }
0x9: {  	[smem:$0x3FAE] =	sst s1  }
0xa: {  	[smem:$0x3FAF] =	sst s2  }
0xb: {  	[smem:$0x3FB0] =	sst s3  }
0xc: {  	[smem:$0x3FB1] =	sst s4  }
0xd: {  	[smem:$0x3FB2] =	sst s5  }
0xe: {  	[smem:$0x3FB3] =	sst s6  }
0xf: {  	[smem:$0x3FB4] =	sst s7  }
0x10: {  	[smem:$0x3FB5] =	sst s8  }
0x11: {  	[smem:$0x3FB6] =	sst s9;
	s0 =	simm.s32 @!p0 $0x0  }
0x12: {  	s1 =	sld [smem:$0x3F9C];
	s0 =	simm.s32 @p0 $0x1  }
0x13: {  	[smem:$0x3FB7] =	sst s0;
	s0 =	simm.s32 @!p1 $0x0  }
0x14: {  	s2 =	sld [smem:$0x3F9B];
	s0 =	simm.s32 @p1 $0x1  }
0x15: {  	[smem:$0x3FB8] =	sst s0;
	s0 =	simm.s32 @!p2 $0x0  }
0x16: {  	s3 =	sld [smem:$0x3FDB];
	s0 =	simm.s32 @p2 $0x1  }
0x17: {  	s4 =	simm.s32 $0x1BF5;
	[smem:$0x3FBA] =	sst s0  }
0x18: {  	s0 =	sld [smem:$0x3F9D];
	_ =	swait.ge [sflag:s4], $0x0  }
0x19: {  	s7 =	sld [smem:$0x3F9E]  }
0x1a: {  	s8 =	sadd.s32 $0xFFFFE003, lr  }
0x1b: {  	s9 =	sadd.s32 $0xFFFFFEF7, lr;
	s5 =	simm.s32 $0xFFFFFFFF;
	p2 =	slt.u32 s8, $0xFFFFF086  }
0x1c: {  	p1 =	slt.u32 s9, $0xF7A;
	s5 =	simm.s32 @!p2 $0x0  }
0x1d: {  	s5 =	simm.s32 @p1 $0x1;
	p0 =	seq.s32 s7, s2  }
0x1e: {  	s7 =	smul.u32 @!p0 $0xF7A, s2;
	p2 =	seq.s32 @!p0 s5, $0x0  }
0x1f: {  	s9 =	smul.u32 $0xF7A, s1;
	s8 =	simm.s32 @!p0 $0x1BF5;
	p2 =	por !p2, p0  }
0x20: {  	[sflag:s8] =	ssyncset.s32 @!p0 $0xFFFFF086;
	s6 =	sadd.s32 @!p0 s3, s7;
	s7 =	simm.s32 @!p0 $0x108  }
0x21: {  	s3 =	sadd.s32 s3, s9;
	s6 =	sadd.s32 @!p0 $0x88, s6;
	s7 =	simm.s32 @p2 $0x1082  }
0x22: {  	[simem:s7], [sflag:s8] =	dma.local @!p0 [hbm:s6], $0xF7A  }
0x23: {  	s9 =	sor.u32 $0xD0000000, s2;
	s6 =	simm.s32 $0x108;
	_ =	swait.ge @!p0 [sflag:s8], $0x0  }
0x24: {  	s3 =	sadd.s32 $0x88, s3;
	s6 =	simm.s32 @!p1 $0x1082;
	[sflag:s4] =	ssyncset.s32 $0xFFFFF086  }
0x25: {  	[simem:s6], [sflag:s4] =	dma.local [hbm:s3], $0xF7A  }
0x26: {  	[smem:$0x3F9E] =	sst s1;
	(tag) =	ssettag s2;
	_ =	strace s9  }
0x27: {  	s1 =	sld [smem:$0x3FAE]  }
0x28: {  	s2 =	sld [smem:$0x3FAF]  }
0x29: {  	s4 =	sld [smem:$0x3FB1]  }
0x2a: {  	p0 =	seq.s32 s5, $0x0;
	s5 =	sld [smem:$0x3FB2]  }
0x2b: {  	s6 =	sld [smem:$0x3FB3]  }
0x2c: {  	s7 =	sld [smem:$0x3FB4]  }
0x2d: {  	s3 =	simm.s32 $0x108;
	s8 =	sld [smem:$0x3FB5]  }
0x2e: {  	s3 =	simm.s32 @!p0 $0x1082;
	s9 =	sld [smem:$0x3FB6]  }
0x2f: {  	lr =	sadd.s32 s0, s3;
	s0 =	sld [smem:$0x3FAD]  }
0x30: {  	s3 =	sld [smem:$0x3FB0]  }
0x31: {  	[smem:$0x3FB9] =	sst s10  }
0x32: {  	s10 =	sld [smem:$0x3FB7];
	_ =	sdelay $0x3  }
0x33: {  	p0 =	seq.s32 s10, $0x1;
	s10 =	sld [smem:$0x3FB9];
	_ =	sdelay $0x3  }
0x34: {  	[smem:$0x3FB9] =	sst s10  }
0x35: {  	s10 =	sld [smem:$0x3FB8];
	_ =	sdelay $0x3  }
0x36: {  	p1 =	seq.s32 s10, $0x1;
	s10 =	sld [smem:$0x3FB9];
	_ =	sdelay $0x3  }
0x37: {  	[smem:$0x3FB9] =	sst s10  }
0x38: {  	s10 =	sld [smem:$0x3FBA]  }
0x39: {  	_ = 	snop;
	(pc) =	sbr.ind lr, $3  }
0x3a: {  	_ = 	snop  }
0x3b: {  	_ = 	snop  }
0x3c: {  	p2 =	seq.s32 s10, $0x1;
	s10 =	sld [smem:$0x3FB9]  }
0x3d: {  	_ =	shalt  }
0x3e: {  	_ =	shalt  }
0x3f: {  	_ =	shalt  }
0x40: {  	_ =	shalt  }
0x41: {  	_ =	shalt  }
0x42: {  	_ =	shalt  }
0x43: {  	_ =	shalt  }
0x44: {  	_ =	shalt  }
0x45: {  	_ =	shalt  }
0x46: {  	_ =	shalt  }
0x47: {  	_ =	shalt  }
0x48: {  	_ =	shalt  }
0x49: {  	_ =	shalt  }
0x4a: {  	_ =	shalt  }
0x4b: {  	_ =	shalt  }
0x4c: {  	_ =	shalt  }
0x4d: {  	_ =	shalt  }
0x4e: {  	_ =	shalt  }
0x4f: {  	_ =	shalt  }
0x50: {  	_ =	shalt  }
0x51: {  	_ =	shalt  }
0x52: {  	_ =	shalt  }
0x53: {  	_ =	shalt  }
0x54: {  	_ =	shalt  }
0x55: {  	_ =	shalt  }
0x56: {  	_ =	shalt  }
0x57: {  	_ =	shalt  }
0x58: {  	_ =	shalt  }
0x59: {  	_ =	shalt  }
0x5a: {  	_ =	shalt  }
0x5b: {  	_ =	shalt  }
0x5c: {  	_ =	shalt  }
0x5d: {  	_ =	shalt  }
0x5e: {  	_ =	shalt  }
0x5f: {  	_ =	shalt  }
0x60: {  	_ =	shalt  }
0x61: {  	_ =	shalt  }
0x62: {  	_ =	shalt  }
0x63: {  	_ =	shalt  }
0x64: {  	_ =	shalt  }
0x65: {  	_ =	shalt  }
0x66: {  	_ =	shalt  }
0x67: {  	_ =	shalt  }
0x68: {  	_ =	shalt  }
0x69: {  	_ =	shalt  }
0x6a: {  	_ =	shalt  }
0x6b: {  	_ =	shalt  }
0x6c: {  	_ =	shalt  }
0x6d: {  	_ =	shalt  }
0x6e: {  	_ =	shalt  }
0x6f: {  	_ =	shalt  }
0x70: {  	_ =	shalt  }
0x71: {  	_ =	shalt  }
0x72: {  	_ =	shalt  }
0x73: {  	_ =	shalt  }
0x74: {  	_ =	shalt  }
0x75: {  	_ =	shalt  }
0x76: {  	_ =	shalt  }
0x77: {  	_ =	shalt  }
0x78: {  	_ =	shalt  }
0x79: {  	_ =	shalt  }
0x7a: {  	_ =	shalt  }
0x7b: {  	_ =	shalt  }
0x7c: {  	_ =	shalt  }
0x7d: {  	_ =	shalt  }
0x7e: {  	_ =	shalt  }
0x7f: {  	_ =	shalt  }
0x80: {  	_ =	shalt  }
0x81: {  	_ =	shalt  }
0x82: {  	_ =	shalt  }
0x83: {  	_ =	shalt  }
0x84: {  	_ =	shalt  }
0x85: {  	_ =	shalt  }
0x86: {  	_ =	shalt  }
0x87: {  	_ =	shalt  }
.Lfunc_end0:
.L_simem_size_0:
called_computation_lowered:
.L_overlay_start_0:
0x88: {  	s2 =	sld [smem:$0x3FD9]  }
0x89: {  	s3 =	sld [smem:$0x3FFE];
	_ =	sdelay $0x1  }
0x8a: {  	s1 =	srdreg.scid  }
0x8b: {  	s0 =	sand.u32 $0x1, s1  }
0x8c: {  	s14 =	sshll.u32 s0, $0xA;
	s2 =	sadd.s32 s3, s2  }
0x8d: {  	s2 =	sadd.s32 s2, s14  }
0x8e: {  	[smem:$0x3FC5] =	sst s2  }
0x8f: {  	_ = 	snop  }
0x90: {  	s2 =	sld [smem:$0x3FD0];
	_ =	sdelay $0x2  }
0x91: {  	s4 =	simm.s32 $0xA;
	s5 =	simm.s32 $0x10;
	s15 =	sld [smem:$0x3FC7]  }
0x92: {  	[smem:s5], [sflag:s4] =	dma.local [hbm:s2], $0x1  }
0x93: {  	_ =	swait.eq [sflag:s4], $0x1  }
0x94: {  	s16 =	sld [smem:$0x10];
	[sflag:s4] =	ssyncset.done $0x0  }
0x95: {  	s17 =	sld [smem:$0x11];
	[sflag:s4] =	ssyncadd.s32 $0xFFFFFFFF  }
0x96: {  	s18 =	sld [smem:$0x12];
	(tm) =	ssettm $0x1  }
0x97: {  	s6 =	sld [smem:$0x3FFB];
	_ =	sdelay $0x3  }
0x98: {  	_ =	strace s6  }
0x99: {  	s6 =	sld [smem:$0x3FFC];
	_ =	sdelay $0x3  }
0x9a: {  	_ =	strace s6  }
0x9b: {  	s6 =	sld [smem:$0x3FFD];
	_ =	sdelay $0x3  }
0x9c: {  	_ =	strace s6  }
0x9d: {  	_ =	strace $0x8FFFFFFF  }
0x9e: {  	s19 =	sld [smem:$0x3FDB];
	_ =	sdelay $0x1  }
0x9f: {  	s7 =	simm.s32 $_scs_section_size  }
0xa0: {  	s8 =	simm.s32 $_size__tile_overlayer_lowered;
	s9 =	simm.s32 $_tile_overlayer_lowered  }
0xa1: {  	s22 =	simm.s32 $0x1BFF;
	s21 =	sshll.u32 s9, $0x1;
	s6 =	sadd.s32 s7, s19  }
0xa2: {  	s10 =	simm.s32 $0x0;
	s20 =	sshll.u32 s8, $0x1;
	s8 =	sadd.s32 s21, s6  }
0xa3: {  	[timem:s10], [sflag:s22] =	dma.local [hbm:s8], s20  }
0xa4: {  	_ =	swait.ge [sflag:s22], s20  }
0xa5: {  	s7 =	ssub.s32 $0x0, s20;
	[sflag:s22] =	ssyncset.done $0x0  }
0xa6: {  	[sflag:s22] =	ssyncadd.s32 s7;
	_ =	sdelay $0x1  }
0xa7: {  	s23 =	simm.s32 $0x1B8B  }
0xa8: {  	_ =	swait.ge [sflag:s23], $0x1  }
0xa9: {  	[sflag:s23] =	ssyncset.done $0x0  }
0xaa: {  	s25 =	simm.s32 $0x1B8E;
	s24 =	sld [smem:$0x3FFE];
	[sflag:s23] =	ssyncadd.s32 $0xFFFFFFFF  }
0xab: {  	s26 =	simm.s32 $execute0_lowered;
	[smem:$0x3FD2] =	sst s25  }
0xac: {  	s8 =	sshll.u32 s26, $0x1;
	_ =	strace $0x80000046;
	[dreg:$0x1] =	wrdreg $0xFFFFFFFF  }
0xad: {  	s28 =	simm.s32 $_size_execute0_lowered;
	s6 =	sadd.s32 s6, s8;
	[dreg:$0x0] =	wrdreg $0x0  }
0xae: {  	s8 =	sshll.u32 s28, $0x1;
	[dreg:$0x2] =	wrdreg s6  }
0xaf: {  	[dreg:$0x3] =	wrdreg s8  }
0xb0: {  	[dreg:$0x4] =	wrdreg $0xC0  }
0xb1: {  	_ =	task [dreg:s10], $0x5FFFF  }
0xb2: {  	[dreg:$0x1] =	wrdreg $0xFFFFFFFF  }
0xb3: {  	[dreg:$0x0] =	wrdreg $0x60  }
0xb4: {  	[dreg:$0x2] =	wrdreg s15  }
0xb5: {  	[dreg:$0x3] =	wrdreg s17  }
0xb6: {  	[dreg:$0x4] =	wrdreg s16  }
0xb7: {  	[dreg:$0x5] =	wrdreg s18  }
0xb8: {  	[dreg:$0x6] =	wrdreg s24  }
0xb9: {  	[dreg:$0x7] =	wrdreg $0x9  }
0xba: {  	_ =	task.clear_ibuf [dreg:s10], $0x8FFFF;
	_ =	strace $0x90000046  }
0xbb: {  	s29 =	simm.s32 $0x9;
	_ =	strace $0x80000048  }
0xbc: {  	_ =	swait.ge [sflag:s29], $0x1  }
0xbd: {  	[sflag:s29] =	ssyncadd.s32 $0xFFFFFFFF  }
0xbe: {  	_ =	strace $0x90000048  }
0xbf: {  	_ =	sfence  }
0xc0: {  	s30 =	sld [smem:$0x0];
	_ =	sdelay $0x2  }
0xc1: {  	s31 =	sshll.u32 s1, $0xD;
	s1 =	sshrl.u32 s1, $0x2  }
0xc2: {  	s3 =	sand.u32 $0x4000, s31;
	s1 =	sadd.s32 s1, s30  }
0xc3: {  	s0 =	sor.u32 s3, s0;
	s1 =	sshll.u32 s1, $0x11  }
0xc4: {  	s0 =	sor.u32 s1, s0  }
0xc5: {  	s0 =	sadd.s32 $0x8F2B, s0  }
0xc6: {  	[sflag:s0] =	ssyncadd.remote.s32 $0x1  }
0xc7: {  	_ =	sfence.sel $0xFFFF  }
0xc8: {  	[dreg:$0x0] =	wrdreg $0xFFFFFFFF;
	(pc) =	sbr.abs _section_cstart, $3  }
0xc9: {  	[dreg:$0x1] =	wrdreg $0xFFFFFFFF  }
0xca: {  	_ =	task.clear_ibuf [dreg:s10], $0x2FFFF;
	_ =	strace $0x9FFFFFFF  }
0xcb: {  	(tm) =	ssettm $0x7FFFFFFF  }
tec
execute0_lowered:
.L_overlay_start_1:
0x0: {  	(tag) =	ssettag $0x1  }
0x1: {  	s0 =	rddreg [dreg:$0x0]  }
0x2: {  	s2 =	rddreg [dreg:$0x1]  }
0x3: {  	s5 =	rddreg [dreg:$0x2];
	s3 =	srdreg.scid  }
0x4: {  	s6 =	rddreg [dreg:$0x3];
	s1 =	stileid.u32  }
0x5: {  	s8 =	rddreg [dreg:$0x4];
	s4 =	simm.s32 $0x0;
	s12 =	simm.s32 $0x1080  }
0x6: {  	s13 =	simm.s32 $0x1880;
	s14 =	simm.s32 $0x2080;
	s15 =	simm.s32 $0x2880  }
0x7: {  	s16 =	simm.s32 $0x3080;
	s17 =	simm.s32 $0x3880;
	s18 =	simm.s32 $0x4080  }
0x8: {  	s19 =	simm.s32 $0x4880;
	s20 =	simm.s32 $0x5080;
	s21 =	simm.s32 $0x5880  }
0x9: {  	s22 =	simm.s32 $0x6080;
	s23 =	simm.s32 $0x6880;
	s24 =	simm.s32 $0x7080  }
0xa: {  	s25 =	simm.s32 $0x7880;
	s28 =	simm.s32 $0x1;
	s29 =	simm.s32 $0x2  }
0xb: {  	s30 =	simm.s32 $0x3;
	s31 =	simm.s32 $0x4;
	s7 =	sand.u32 $0x1, s3  }
0xc: {  	s9 =	sshll.u32 s1, $0x8;
	s3 =	rddreg [dreg:$0x5];
	s10 =	sshll.u32 s7, $0x7  }
0xd: {  	[smem:$0x7FF] =	sst s4;
	s7 =	ssub.s32 $0x2, s7;
	s9 =	sor.u32 s10, s9  }
0xe: {  	_ =	strace $0x80000047;
	s26 =	sshrl.u32 s7, $0x1;
	s10 =	sshll.u32 s9, $0x4  }
0xf: {  	s11 =	sshrl.u32 s9, $0x3;
	s9 =	sshll.u32 s9, $0x5;
	s8 =	sadd.s32 s10, s8  }
0x10: {  	v2 =	vlaneseq.u32;
	s10 =	ssub.s32 s7, s26;
	s5 =	sadd.s32 s5, s11;
	s6 =	sadd.s32 s6, s9  }
0x11: {  	vm0 =	vmmov $0xffff;
	v1 =	vshrl.u32 v2, $0x3;
	s9 =	simm.s32 $0x5;
	s11 =	simm.s32 $0x880;
	s26 =	simm.s32 $0x8080  }
0x12: {  	v0 =	vand.u32 $0x7, v2;
	v2 =	vor.u32 $0x8, v2;
	v1 =	vmul.u32 $0x8, v1;
	s7 =	sadd.s32 $0x1000, s8;
	s8 =	smax.u32 s10, $0x1;
	s10 =	simm.s32 $0x80  }
.LBB2_1:
0x13: {  	[tilespmem:s4], [sflag:$0x5] =	stream.linear.gather [hbm4b:s5+s4], $0x80, $0x38;
	[tilespmem:$0xC080] =	vst v63  }
0x14: {  	_ =	swait.ge [sflag:s9], $0x80  }
0x15: {  	[sflag:s9] =	ssyncset.done $0x0  }
0x16: {  	[sflag:s9] =	ssyncadd.s32 $0xFFFFFF80  }
0x17: {  	v3 =	vld [tilespmem:$0x0];
	_ =	sdelay $0x4  }
0x18: {  	v4 =	vshll.u32 v3, $0x1  }
0x19: {  	v3 =	vand.u32 $0x7, v3;
	v4 =	vand.u32 $0xFFFFFFF0, v4  }
0x1a: {  	v3 =	vor.u32 v3, v4  }
0x1b: {  	v4 =	vperm.xlane v3, v0;
	_ =	sdelay $0x1  }
0x1c: {  	v3 =	vperm.xlane v3, v2;
	v4 =	vadd.s32 v1, v4;
	_ =	sdelay $0x1  }
0x1d: {  	v3 =	vadd.s32 v1, v3;
	_ =	sdelay $0x2  }
0x1e: {  	[tilespmem:s10], [sflag:$0x1] =	stream.indirect_vreg.gather [hbm4b:s0+s4], $0x80, v4, vm0, $0xb8;
	[tilespmem:$0xC080] =	vst v63  }
0x1f: {  	_ = 	snop  }
0x20: {  	[tilespmem:s11], [sflag:$0x1] =	stream.indirect_vreg.gather [hbm4b:s0+s4], $0x80, v3, vm0, $0xb8;
	[tilespmem:$0xC080] =	vst v63  }
0x21: {  	v3 =	vld [tilespmem:$0x10];
	_ =	sdelay $0x4  }
0x22: {  	v57 =	vshll.u32 v3, $0x1  }
0x23: {  	v3 =	vand.u32 $0x7, v3;
	v4 =	vand.u32 $0xFFFFFFF0, v57  }
0x24: {  	v3 =	vor.u32 v3, v4  }
0x25: {  	v4 =	vperm.xlane v3, v0;
	_ =	sdelay $0x1  }
0x26: {  	v3 =	vperm.xlane v3, v2;
	v4 =	vadd.s32 v1, v4;
	_ =	sdelay $0x1  }
0x27: {  	v3 =	vadd.s32 v1, v3;
	_ =	sdelay $0x2  }
0x28: {  	[tilespmem:s12], [sflag:$0x1] =	stream.indirect_vreg.gather [hbm4b:s0+s4], $0x80, v4, vm0, $0xb8;
	[tilespmem:$0xC080] =	vst v63  }
0x29: {  	_ = 	snop  }
0x2a: {  	[tilespmem:s13], [sflag:$0x1] =	stream.indirect_vreg.gather [hbm4b:s0+s4], $0x80, v3, vm0, $0xb8;
	[tilespmem:$0xC080] =	vst v63  }
0x2b: {  	v3 =	vld [tilespmem:$0x20];
	_ =	sdelay $0x4  }
0x2c: {  	v58 =	vshll.u32 v3, $0x1  }
0x2d: {  	v3 =	vand.u32 $0x7, v3;
	v4 =	vand.u32 $0xFFFFFFF0, v58  }
0x2e: {  	v3 =	vor.u32 v3, v4  }
0x2f: {  	v4 =	vperm.xlane v3, v0;
	_ =	sdelay $0x1  }
0x30: {  	v3 =	vperm.xlane v3, v2;
	v4 =	vadd.s32 v1, v4;
	_ =	sdelay $0x1  }
0x31: {  	v3 =	vadd.s32 v1, v3;
	_ =	sdelay $0x2  }
0x32: {  	[tilespmem:s14], [sflag:$0x1] =	stream.indirect_vreg.gather [hbm4b:s0+s4], $0x80, v4, vm0, $0xb8;
	[tilespmem:$0xC080] =	vst v63  }
0x33: {  	_ = 	snop  }
0x34: {  	[tilespmem:s15], [sflag:$0x1] =	stream.indirect_vreg.gather [hbm4b:s0+s4], $0x80, v3, vm0, $0xb8;
	[tilespmem:$0xC080] =	vst v63  }
0x35: {  	v3 =	vld [tilespmem:$0x30];
	_ =	sdelay $0x4  }
0x36: {  	v59 =	vshll.u32 v3, $0x1  }
0x37: {  	v3 =	vand.u32 $0x7, v3;
	v4 =	vand.u32 $0xFFFFFFF0, v59  }
0x38: {  	v3 =	vor.u32 v3, v4  }
0x39: {  	v4 =	vperm.xlane v3, v0;
	_ =	sdelay $0x1  }
0x3a: {  	v3 =	vperm.xlane v3, v2;
	v4 =	vadd.s32 v1, v4;
	_ =	sdelay $0x1  }
0x3b: {  	v3 =	vadd.s32 v1, v3;
	_ =	sdelay $0x2  }
0x3c: {  	[tilespmem:s16], [sflag:$0x1] =	stream.indirect_vreg.gather [hbm4b:s0+s4], $0x80, v4, vm0, $0xb8;
	[tilespmem:$0xC080] =	vst v63  }
0x3d: {  	_ = 	snop  }
0x3e: {  	[tilespmem:s17], [sflag:$0x1] =	stream.indirect_vreg.gather [hbm4b:s0+s4], $0x80, v3, vm0, $0xb8;
	[tilespmem:$0xC080] =	vst v63  }
0x3f: {  	v3 =	vld [tilespmem:$0x40];
	_ =	sdelay $0x4  }
0x40: {  	v60 =	vshll.u32 v3, $0x1  }
0x41: {  	v3 =	vand.u32 $0x7, v3;
	v4 =	vand.u32 $0xFFFFFFF0, v60  }
0x42: {  	v3 =	vor.u32 v3, v4  }
0x43: {  	v4 =	vperm.xlane v3, v0;
	_ =	sdelay $0x1  }
0x44: {  	v3 =	vperm.xlane v3, v2;
	v4 =	vadd.s32 v1, v4;
	_ =	sdelay $0x1  }
0x45: {  	v3 =	vadd.s32 v1, v3;
	_ =	sdelay $0x2  }
0x46: {  	[tilespmem:s18], [sflag:$0x1] =	stream.indirect_vreg.gather [hbm4b:s0+s4], $0x80, v4, vm0, $0xb8;
	[tilespmem:$0xC080] =	vst v63  }
0x47: {  	_ = 	snop  }
0x48: {  	[tilespmem:s19], [sflag:$0x1] =	stream.indirect_vreg.gather [hbm4b:s0+s4], $0x80, v3, vm0, $0xb8;
	[tilespmem:$0xC080] =	vst v63  }
0x49: {  	v3 =	vld [tilespmem:$0x50];
	_ =	sdelay $0x4  }
0x4a: {  	v61 =	vshll.u32 v3, $0x1  }
0x4b: {  	v3 =	vand.u32 $0x7, v3;
	v4 =	vand.u32 $0xFFFFFFF0, v61  }
0x4c: {  	v3 =	vor.u32 v3, v4  }
0x4d: {  	v4 =	vperm.xlane v3, v0;
	_ =	sdelay $0x1  }
0x4e: {  	v3 =	vperm.xlane v3, v2;
	v4 =	vadd.s32 v1, v4;
	_ =	sdelay $0x1  }
0x4f: {  	v3 =	vadd.s32 v1, v3;
	_ =	sdelay $0x2  }
0x50: {  	[tilespmem:s20], [sflag:$0x1] =	stream.indirect_vreg.gather [hbm4b:s0+s4], $0x80, v4, vm0, $0xb8;
	[tilespmem:$0xC080] =	vst v63  }
0x51: {  	_ = 	snop  }
0x52: {  	[tilespmem:s21], [sflag:$0x1] =	stream.indirect_vreg.gather [hbm4b:s0+s4], $0x80, v3, vm0, $0xb8;
	[tilespmem:$0xC080] =	vst v63  }
0x53: {  	v3 =	vld [tilespmem:$0x60];
	_ =	sdelay $0x4  }
0x54: {  	v62 =	vshll.u32 v3, $0x1  }
0x55: {  	v3 =	vand.u32 $0x7, v3;
	v4 =	vand.u32 $0xFFFFFFF0, v62  }
0x56: {  	v3 =	vor.u32 v3, v4  }
0x57: {  	v4 =	vperm.xlane v3, v0;
	_ =	sdelay $0x1  }
0x58: {  	v3 =	vperm.xlane v3, v2;
	v4 =	vadd.s32 v1, v4;
	_ =	sdelay $0x1  }
0x59: {  	v3 =	vadd.s32 v1, v3;
	_ =	sdelay $0x2  }
0x5a: {  	[tilespmem:s22], [sflag:$0x1] =	stream.indirect_vreg.gather [hbm4b:s0+s4], $0x80, v4, vm0, $0xb8;
	[tilespmem:$0xC080] =	vst v63  }
0x5b: {  	_ = 	snop  }
0x5c: {  	[tilespmem:s23], [sflag:$0x1] =	stream.indirect_vreg.gather [hbm4b:s0+s4], $0x80, v3, vm0, $0xb8;
	[tilespmem:$0xC080] =	vst v63  }
0x5d: {  	v3 =	vld [tilespmem:$0x70];
	_ =	sdelay $0x4  }
0x5e: {  	v63 =	vshll.u32 v3, $0x1  }
0x5f: {  	v3 =	vand.u32 $0x7, v3;
	v4 =	vand.u32 $0xFFFFFFF0, v63  }
0x60: {  	v3 =	vor.u32 v3, v4  }
0x61: {  	v4 =	vperm.xlane v3, v0;
	_ =	sdelay $0x1  }
0x62: {  	v3 =	vperm.xlane v3, v2;
	v4 =	vadd.s32 v1, v4;
	_ =	sdelay $0x1  }
0x63: {  	v3 =	vadd.s32 v1, v3;
	_ =	sdelay $0x2  }
0x64: {  	[tilespmem:s24], [sflag:$0x1] =	stream.indirect_vreg.gather [hbm4b:s0+s4], $0x80, v4, vm0, $0xb8;
	[tilespmem:$0xC080] =	vst v63  }
0x65: {  	_ = 	snop  }
0x66: {  	[tilespmem:s25], [sflag:$0x1] =	stream.indirect_vreg.gather [hbm4b:s0+s4], $0x80, v3, vm0, $0xb8;
	[tilespmem:$0xC080] =	vst v63  }
0x67: {  	_ = 	snop  }
0x68: {  	[tilespmem:s26], [sflag:$0x2] =	stream.indirect.gather [hbm4b:s2+s10], $0x80, s4, s10, $0xb8;
	[tilespmem:$0xC080] =	vst v63  }
0x69: {  	_ =	swait.ge [sflag:s28], $0x8000  }
0x6a: {  	[sflag:s28] =	ssyncset.done $0x0  }
0x6b: {  	[sflag:s28] =	ssyncadd.s32 $0xFFFF8000  }
0x6c: {  	[hbm4b:s6+s4] =	stream.linear.scatter [tilespmem:s10], [sflag:$0x3], $0x8000, $0x38;
	[tilespmem:$0xC080] =	vst v63  }
0x6d: {  	_ =	swait.ge [sflag:s29], $0x4000  }
0x6e: {  	[sflag:s29] =	ssyncset.done $0x0  }
0x6f: {  	[sflag:s29] =	ssyncadd.s32 $0xFFFFC000  }
0x70: {  	[hbm4b:s7+s4] =	stream.linear.scatter [tilespmem:s26], [sflag:$0x4], $0x4000, $0x38;
	[tilespmem:$0xC080] =	vst v63  }
0x71: {  	p0 =	sne.s32 s8, $0x1;
	_ =	swait.ge [sflag:s30], $0x8000  }
.Ltmp0:
0x72: {  	[sflag:s30] =	ssyncset.done $0x0;
	(pc) =	sbr.rel @p0 .LBB2_1-.Ltmp0, $4  }
0x73: {  	[sflag:s30] =	ssyncadd.s32 $0xFFFF8000  }
0x74: {  	_ =	swait.ge [sflag:s31], $0x4000  }
0x75: {  	[sflag:s31] =	ssyncset.done $0x0  }
0x76: {  	s8 =	sadd.s32 $0xFFFFFFFF, s8;
	[sflag:s31] =	ssyncadd.s32 $0xFFFFC000  }
0x77: {  	_ =	sfence.sel $0x180000  }
0x78: {  	[bflag:$0x0] =	sbarrier.arrive $0xFFFF  }
0x79: {  	p0 =	sne.s32 s1, $0x0;
	_ =	strace $0x90000047  }
0x7a: {  	s0 =	sadd.s32 @!p0 $0x100000, s3;
	[bflag:$0x2] =	sbarrier.arrive $0xFFFF  }
0x7b: {  	[sflag:s0] =	ssyncadd.tile.s32 @!p0 $0x1;
	_ =	shalt  }
.Lfunc_end2:
_tile_overlayer_lowered:
.L_overlay_start_2:
0x7c: {  	(tag) =	ssettag $0x2  }
0x7d: {  	s0 =	rddreg [dreg:$0x0];
	s2 =	stileid.u32  }
0x7e: {  	s1 =	rddreg [dreg:$0x1];
	p0 =	sne.s32 s2, $0x0  }
0x7f: {  	s3 =	rddreg [dreg:$0x2];
	[bflag:$0x3] =	sbarrier.arrive $0xFFFF;
	s2 =	simm.s32 @!p0 $0x1C05  }
0x80: {  	[timem:s3], [sflag:s2] =	dma.local @!p0 [hbm:s0], s1  }
0x81: {  	s0 =	simm.s32 @!p0 $0x5  }
0x82: {  	_ =	swait.ge @!p0 [sflag:s0], s1  }
0x83: {  	s1 =	ssub.s32 @!p0 $0x0, s1;
	[sflag:s0] =	ssyncset.done @!p0 $0x0  }
0x84: {  	[sflag:s0] =	ssyncadd.s32 @!p0 s1  }
0x85: {  	[bflag:$0x3] =	sbarrier.arrive $0xFFFF  }
0x86: {  	_ =	shalt  }

</sc_bundles>
